<compile_context>
chip_gen: v7x
topology: tpu7x:2x2x1
jax: 0.10.2.dev20260603
libtpu: 0.0.44.dev20260713+nightly
codegen_flags: <defaults>
</compile_context>

<pallas_src>
import functools
import jax
import jax.numpy as jnp
from jax import lax
from jax.experimental import pallas as pl
from jax.experimental.pallas import tpu as pltpu
from jax.experimental.pallas import tpu_sc as plsc

MEMORY_SIZE = 65536
MEMORY_FEATURE = 128
INPUT_SIZE = 256
OUT_SIZE = 256

_SC_ROWS = MEMORY_SIZE // 2
_TC_ROWS = MEMORY_SIZE - _SC_ROWS

_info = plsc.get_sparse_core_info()
_NC = _info.num_cores
_NS = _info.num_subcores
_NW = _NC * _NS
_ROWS_PER_W = _SC_ROWS // _NW
_CH = 256
_NCH = _ROWS_PER_W // _CH


def _make_sc_copy():
    mesh = plsc.VectorSubcoreMesh(core_axis_name="c", subcore_axis_name="s")

    @functools.partial(
        pl.kernel, mesh=mesh,
        out_type=jax.ShapeDtypeStruct((_SC_ROWS, MEMORY_FEATURE),
                                      jnp.float32),
        scratch_types=[
            pltpu.VMEM((_CH, MEMORY_FEATURE), jnp.float32),
            pltpu.VMEM((_CH, MEMORY_FEATURE), jnp.float32),
            pltpu.SemaphoreType.DMA,
            pltpu.SemaphoreType.DMA,
            pltpu.SemaphoreType.DMA,
            pltpu.SemaphoreType.DMA,
        ],
    )
    def sc_copy(mem_hbm, out_hbm, buf0, buf1, si0, si1, so0, so1):
        wid = lax.axis_index("s") * _NC + lax.axis_index("c")
        base = _SC_ROWS + wid * _ROWS_PER_W
        obase = wid * _ROWS_PER_W
        bufs = (buf0, buf1)
        sins = (si0, si1)
        souts = (so0, so1)
        h_in = [None, None]
        h_out = [None, None]
        h_in[0] = pltpu.async_copy(
            mem_hbm.at[pl.ds(base, _CH)], bufs[0], sins[0])
        for k in range(_NCH):
            bsel = k & 1
            nsel = 1 - bsel
            if k + 1 < _NCH:
                if k >= 1:
                    h_out[nsel].wait()
                h_in[nsel] = pltpu.async_copy(
                    mem_hbm.at[pl.ds(base + (k + 1) * _CH, _CH)],
                    bufs[nsel], sins[nsel])
            h_in[bsel].wait()
            h_out[bsel] = pltpu.async_copy(
                bufs[bsel], out_hbm.at[pl.ds(obase + k * _CH, _CH)],
                souts[bsel])
        h_out[(_NCH - 1) & 1].wait()

    return sc_copy


_sc_copy = _make_sc_copy()

_TC_STEPS = 4


def _tc_body(x_ref, memslice_ref, memcopy_ref, w_ref, b_ref,
             out_ref, mstate_ref):
    mstate_ref[...] = memcopy_ref[...]
    acc = jnp.dot(x_ref[...], w_ref[:INPUT_SIZE, :],
                  preferred_element_type=jnp.float32)
    acc = acc + jnp.dot(memslice_ref[...], w_ref[INPUT_SIZE:, :],
                        preferred_element_type=jnp.float32)
    out_ref[...] = acc + b_ref[...]


def _tc_call(x, mem, W, b2):
    batch = x.shape[0]
    bm = batch // _TC_STEPS
    cm = _TC_ROWS // _TC_STEPS
    return pl.pallas_call(
        _tc_body,
        grid=(_TC_STEPS,),
        in_specs=[
            pl.BlockSpec((bm, INPUT_SIZE), lambda i: (i, 0)),
            pl.BlockSpec((bm, MEMORY_FEATURE), lambda i: (i, 0)),
            pl.BlockSpec((cm, MEMORY_FEATURE), lambda i: (i, 0)),
            pl.BlockSpec((INPUT_SIZE + MEMORY_FEATURE, OUT_SIZE),
                         lambda i: (0, 0)),
            pl.BlockSpec((1, OUT_SIZE), lambda i: (0, 0)),
        ],
        out_specs=[
            pl.BlockSpec((bm, OUT_SIZE), lambda i: (i, 0)),
            pl.BlockSpec((cm, MEMORY_FEATURE), lambda i: (i, 0)),
        ],
        out_shape=[
            jax.ShapeDtypeStruct((batch, OUT_SIZE), jnp.float32),
            jax.ShapeDtypeStruct((_TC_ROWS, MEMORY_FEATURE), jnp.float32),
        ],
    )(x, mem, mem, W, b2)


def kernel(x, mem, W, b):
    b2 = b.reshape(1, OUT_SIZE)
    out, tc_half = _tc_call(x, mem, W, b2)
    sc_half = _sc_copy(mem)
    return (out, tc_half, sc_half)

# --- scband reference (transcript-rebuilt; emitter-appended) ---
"""Pipeline reference for scband-my-model-56264071577877 (READ-ONLY COPY).

The authoritative reference and input builder live on the scoring server;
editing this copy changes nothing except your own understanding.
"""

import jax, jax.numpy as jnp
import numpy as np

INPUT_SIZE = 256
OUT_SIZE = 256
MEMORY_SIZE = 65536
MEMORY_FEATURE = 128
BATCH = 4096


def setup_inputs(seed: int = 0) -> dict:
    key = jax.random.key(seed)
    k1, k2, k3, k4 = jax.random.split(key, 4)
    x = jax.random.normal(k1, (BATCH, INPUT_SIZE), dtype=jnp.float32)
    # Memory module's internal state buffer [memory_size, memory_feature]
    mem = jax.random.normal(k2, (MEMORY_SIZE, MEMORY_FEATURE), dtype=jnp.float32) * 0.02
    # nn.Linear(in_features=input_size + memory_feature, out_features=out_size)
    fan_in = INPUT_SIZE + MEMORY_FEATURE
    W = jax.random.normal(k3, (fan_in, OUT_SIZE), dtype=jnp.float32) * (1.0 / np.sqrt(fan_in))
    b = jax.random.uniform(k4, (OUT_SIZE,), dtype=jnp.float32, minval=-1.0 / np.sqrt(fan_in), maxval=1.0 / np.sqrt(fan_in))
    return {"x": x, "mem": mem, "W": W, "b": b}


def reference(x, mem, W, b):
    # Memory.write(): state refresh treated as identity (no external write payload in forward)
    # Memory.read(): returns the full memory state tensor
    mem_state = mem
    batch_size = x.shape[0]
    h = jnp.concatenate([x, mem_state[:batch_size]], axis=1)
    out = h @ W + b
    return (out, mem_state)

if __name__ == "__main__":
    import jax
    _d = setup_inputs()
    print(jax.jit(kernel)(*tuple(_d.values())))

</pallas_src>

<mosaic_0001>
#map = affine_map<(d0, d1) -> (0, 0)>
module attributes {stable_mosaic.version = 14 : i64} {
  func.func @sc_copy(%arg0: i32, %arg1: i32, %arg2: memref<65536x128xf32, #tpu.memory_space<hbm>>, %arg3: memref<32768x128xf32, #tpu.memory_space<hbm>>, %arg4: memref<256x128xf32, #tpu.memory_space<vmem>>, %arg5: memref<256x128xf32, #tpu.memory_space<vmem>>, %arg6: memref<!tpu.dma_semaphore, #tpu.memory_space<semaphore_mem>>, %arg7: memref<!tpu.dma_semaphore, #tpu.memory_space<semaphore_mem>>, %arg8: memref<!tpu.dma_semaphore, #tpu.memory_space<semaphore_mem>>, %arg9: memref<!tpu.dma_semaphore, #tpu.memory_space<semaphore_mem>>) attributes {dimension_semantics = [#tpu.dimension_semantics<core_parallel>, #tpu.dimension_semantics<subcore_parallel>], iteration_bounds = array<i64: 2, 16>, scalar_prefetch = 0 : i64, scratch_operands = 6 : i64, tpu.core_type = #tpu.core_type<sc_vector_subcore>, window_params = [{transform_indices = #map}, {transform_indices = #map}]} {
    %mul3A = arith.constant 2 : i32
    %mul3A_0 = arith.muli %arg1, %mul3A : i32
    %add3A = arith.addi %mul3A_0, %arg0 : i32
    %mul3A_1 = arith.constant 1024 : i32
    %mul3A_2 = arith.muli %add3A, %mul3A_1 : i32
    %add3A_3 = arith.constant 32768 : i32
    %add3A_4 = arith.addi %add3A_3, %mul3A_2 : i32
    %mul3A_5 = arith.constant 1024 : i32
    %mul3A_6 = arith.muli %add3A, %mul3A_5 : i32
    %dma_start3A = arith.constant 0 : i32
    %dma_start3A_7 = tpu.memref_slice %arg2[%add3A_4, %dma_start3A] : memref<65536x128xf32, #tpu.memory_space<hbm>> -> memref<256x128xf32, #tpu.memory_space<hbm>>
    %dma_start3A_8 = arith.constant 0 : i32
    %dma_start3A_9 = tpu.memref_slice %arg2[%add3A_4, %dma_start3A_8] : memref<65536x128xf32, #tpu.memory_space<hbm>> -> memref<256x128xf32, #tpu.memory_space<hbm>>
    tpu.enqueue_dma source(%dma_start3A_9 : memref<256x128xf32, #tpu.memory_space<hbm>>) target(%arg4 : memref<256x128xf32, #tpu.memory_space<vmem>>) target_semaphore(%arg6 : memref<!tpu.dma_semaphore, #tpu.memory_space<semaphore_mem>>)
    %add3A_10 = arith.constant 256 : i32
    %add3A_11 = arith.addi %add3A_4, %add3A_10 : i32
    %dma_start3A_12 = arith.constant 0 : i32
    %dma_start3A_13 = tpu.memref_slice %arg2[%add3A_11, %dma_start3A_12] : memref<65536x128xf32, #tpu.memory_space<hbm>> -> memref<256x128xf32, #tpu.memory_space<hbm>>
    %dma_start3A_14 = arith.constant 0 : i32
    %dma_start3A_15 = tpu.memref_slice %arg2[%add3A_11, %dma_start3A_14] : memref<65536x128xf32, #tpu.memory_space<hbm>> -> memref<256x128xf32, #tpu.memory_space<hbm>>
    tpu.enqueue_dma source(%dma_start3A_15 : memref<256x128xf32, #tpu.memory_space<hbm>>) target(%arg5 : memref<256x128xf32, #tpu.memory_space<vmem>>) target_semaphore(%arg7 : memref<!tpu.dma_semaphore, #tpu.memory_space<semaphore_mem>>)
    %dma_wait3A = arith.constant 0 : i32
    %dma_wait3A_16 = tpu.memref_slice %arg2[%add3A_4, %dma_wait3A] : memref<65536x128xf32, #tpu.memory_space<hbm>> -> memref<256x128xf32, #tpu.memory_space<hbm>>
    %dma_wait3A_17 = arith.constant 0 : i32
    %dma_wait3A_18 = tpu.memref_slice %arg2[%add3A_4, %dma_wait3A_17] : memref<65536x128xf32, #tpu.memory_space<hbm>> -> memref<256x128xf32, #tpu.memory_space<hbm>>
    tpu.wait_dma2 semaphore(%arg6 : memref<!tpu.dma_semaphore, #tpu.memory_space<semaphore_mem>>) src(%dma_wait3A_18 : memref<256x128xf32, #tpu.memory_space<hbm>>) dst(%arg4 : memref<256x128xf32, #tpu.memory_space<vmem>>)
    %add3A_19 = arith.constant 0 : i32
    %add3A_20 = arith.addi %mul3A_6, %add3A_19 : i32
    %dma_start3A_21 = arith.constant 0 : i32
    %dma_start3A_22 = tpu.memref_slice %arg3[%add3A_20, %dma_start3A_21] : memref<32768x128xf32, #tpu.memory_space<hbm>> -> memref<256x128xf32, #tpu.memory_space<hbm>>
    %dma_start3A_23 = arith.constant 0 : i32
    %dma_start3A_24 = tpu.memref_slice %arg3[%add3A_20, %dma_start3A_23] : memref<32768x128xf32, #tpu.memory_space<hbm>> -> memref<256x128xf32, #tpu.memory_space<hbm>>
    tpu.enqueue_dma source(%arg4 : memref<256x128xf32, #tpu.memory_space<vmem>>) target(%dma_start3A_24 : memref<256x128xf32, #tpu.memory_space<hbm>>) target_semaphore(%arg8 : memref<!tpu.dma_semaphore, #tpu.memory_space<semaphore_mem>>)
    %dma_wait3A_25 = arith.constant 0 : i32
    %dma_wait3A_26 = tpu.memref_slice %arg3[%add3A_20, %dma_wait3A_25] : memref<32768x128xf32, #tpu.memory_space<hbm>> -> memref<256x128xf32, #tpu.memory_space<hbm>>
    %dma_wait3A_27 = arith.constant 0 : i32
    %dma_wait3A_28 = tpu.memref_slice %arg3[%add3A_20, %dma_wait3A_27] : memref<32768x128xf32, #tpu.memory_space<hbm>> -> memref<256x128xf32, #tpu.memory_space<hbm>>
    tpu.wait_dma2 semaphore(%arg8 : memref<!tpu.dma_semaphore, #tpu.memory_space<semaphore_mem>>) src(%arg4 : memref<256x128xf32, #tpu.memory_space<vmem>>) dst(%dma_wait3A_28 : memref<256x128xf32, #tpu.memory_space<hbm>>)
    %add3A_29 = arith.constant 512 : i32
    %add3A_30 = arith.addi %add3A_4, %add3A_29 : i32
    %dma_start3A_31 = arith.constant 0 : i32
    %dma_start3A_32 = tpu.memref_slice %arg2[%add3A_30, %dma_start3A_31] : memref<65536x128xf32, #tpu.memory_space<hbm>> -> memref<256x128xf32, #tpu.memory_space<hbm>>
    %dma_start3A_33 = arith.constant 0 : i32
    %dma_start3A_34 = tpu.memref_slice %arg2[%add3A_30, %dma_start3A_33] : memref<65536x128xf32, #tpu.memory_space<hbm>> -> memref<256x128xf32, #tpu.memory_space<hbm>>
    tpu.enqueue_dma source(%dma_start3A_34 : memref<256x128xf32, #tpu.memory_space<hbm>>) target(%arg4 : memref<256x128xf32, #tpu.memory_space<vmem>>) target_semaphore(%arg6 : memref<!tpu.dma_semaphore, #tpu.memory_space<semaphore_mem>>)
    %dma_wait3A_35 = arith.constant 0 : i32
    %dma_wait3A_36 = tpu.memref_slice %arg2[%add3A_11, %dma_wait3A_35] : memref<65536x128xf32, #tpu.memory_space<hbm>> -> memref<256x128xf32, #tpu.memory_space<hbm>>
    %dma_wait3A_37 = arith.constant 0 : i32
    %dma_wait3A_38 = tpu.memref_slice %arg2[%add3A_11, %dma_wait3A_37] : memref<65536x128xf32, #tpu.memory_space<hbm>> -> memref<256x128xf32, #tpu.memory_space<hbm>>
    tpu.wait_dma2 semaphore(%arg7 : memref<!tpu.dma_semaphore, #tpu.memory_space<semaphore_mem>>) src(%dma_wait3A_38 : memref<256x128xf32, #tpu.memory_space<hbm>>) dst(%arg5 : memref<256x128xf32, #tpu.memory_space<vmem>>)
    %add3A_39 = arith.constant 256 : i32
    %add3A_40 = arith.addi %mul3A_6, %add3A_39 : i32
    %dma_start3A_41 = arith.constant 0 : i32
    %dma_start3A_42 = tpu.memref_slice %arg3[%add3A_40, %dma_start3A_41] : memref<32768x128xf32, #tpu.memory_space<hbm>> -> memref<256x128xf32, #tpu.memory_space<hbm>>
    %dma_start3A_43 = arith.constant 0 : i32
    %dma_start3A_44 = tpu.memref_slice %arg3[%add3A_40, %dma_start3A_43] : memref<32768x128xf32, #tpu.memory_space<hbm>> -> memref<256x128xf32, #tpu.memory_space<hbm>>
    tpu.enqueue_dma source(%arg5 : memref<256x128xf32, #tpu.memory_space<vmem>>) target(%dma_start3A_44 : memref<256x128xf32, #tpu.memory_space<hbm>>) target_semaphore(%arg9 : memref<!tpu.dma_semaphore, #tpu.memory_space<semaphore_mem>>)
    %dma_wait3A_45 = arith.constant 0 : i32
    %dma_wait3A_46 = tpu.memref_slice %arg3[%add3A_40, %dma_wait3A_45] : memref<32768x128xf32, #tpu.memory_space<hbm>> -> memref<256x128xf32, #tpu.memory_space<hbm>>
    %dma_wait3A_47 = arith.constant 0 : i32
    %dma_wait3A_48 = tpu.memref_slice %arg3[%add3A_40, %dma_wait3A_47] : memref<32768x128xf32, #tpu.memory_space<hbm>> -> memref<256x128xf32, #tpu.memory_space<hbm>>
    tpu.wait_dma2 semaphore(%arg9 : memref<!tpu.dma_semaphore, #tpu.memory_space<semaphore_mem>>) src(%arg5 : memref<256x128xf32, #tpu.memory_space<vmem>>) dst(%dma_wait3A_48 : memref<256x128xf32, #tpu.memory_space<hbm>>)
    %add3A_49 = arith.constant 768 : i32
    %add3A_50 = arith.addi %add3A_4, %add3A_49 : i32
    %dma_start3A_51 = arith.constant 0 : i32
    %dma_start3A_52 = tpu.memref_slice %arg2[%add3A_50, %dma_start3A_51] : memref<65536x128xf32, #tpu.memory_space<hbm>> -> memref<256x128xf32, #tpu.memory_space<hbm>>
    %dma_start3A_53 = arith.constant 0 : i32
    %dma_start3A_54 = tpu.memref_slice %arg2[%add3A_50, %dma_start3A_53] : memref<65536x128xf32, #tpu.memory_space<hbm>> -> memref<256x128xf32, #tpu.memory_space<hbm>>
    tpu.enqueue_dma source(%dma_start3A_54 : memref<256x128xf32, #tpu.memory_space<hbm>>) target(%arg5 : memref<256x128xf32, #tpu.memory_space<vmem>>) target_semaphore(%arg7 : memref<!tpu.dma_semaphore, #tpu.memory_space<semaphore_mem>>)
    %dma_wait3A_55 = arith.constant 0 : i32
    %dma_wait3A_56 = tpu.memref_slice %arg2[%add3A_30, %dma_wait3A_55] : memref<65536x128xf32, #tpu.memory_space<hbm>> -> memref<256x128xf32, #tpu.memory_space<hbm>>
    %dma_wait3A_57 = arith.constant 0 : i32
    %dma_wait3A_58 = tpu.memref_slice %arg2[%add3A_30, %dma_wait3A_57] : memref<65536x128xf32, #tpu.memory_space<hbm>> -> memref<256x128xf32, #tpu.memory_space<hbm>>
    tpu.wait_dma2 semaphore(%arg6 : memref<!tpu.dma_semaphore, #tpu.memory_space<semaphore_mem>>) src(%dma_wait3A_58 : memref<256x128xf32, #tpu.memory_space<hbm>>) dst(%arg4 : memref<256x128xf32, #tpu.memory_space<vmem>>)
    %add3A_59 = arith.constant 512 : i32
    %add3A_60 = arith.addi %mul3A_6, %add3A_59 : i32
    %dma_start3A_61 = arith.constant 0 : i32
    %dma_start3A_62 = tpu.memref_slice %arg3[%add3A_60, %dma_start3A_61] : memref<32768x128xf32, #tpu.memory_space<hbm>> -> memref<256x128xf32, #tpu.memory_space<hbm>>
    %dma_start3A_63 = arith.constant 0 : i32
    %dma_start3A_64 = tpu.memref_slice %arg3[%add3A_60, %dma_start3A_63] : memref<32768x128xf32, #tpu.memory_space<hbm>> -> memref<256x128xf32, #tpu.memory_space<hbm>>
    tpu.enqueue_dma source(%arg4 : memref<256x128xf32, #tpu.memory_space<vmem>>) target(%dma_start3A_64 : memref<256x128xf32, #tpu.memory_space<hbm>>) target_semaphore(%arg8 : memref<!tpu.dma_semaphore, #tpu.memory_space<semaphore_mem>>)
    %dma_wait3A_65 = arith.constant 0 : i32
    %dma_wait3A_66 = tpu.memref_slice %arg2[%add3A_50, %dma_wait3A_65] : memref<65536x128xf32, #tpu.memory_space<hbm>> -> memref<256x128xf32, #tpu.memory_space<hbm>>
    %dma_wait3A_67 = arith.constant 0 : i32
    %dma_wait3A_68 = tpu.memref_slice %arg2[%add3A_50, %dma_wait3A_67] : memref<65536x128xf32, #tpu.memory_space<hbm>> -> memref<256x128xf32, #tpu.memory_space<hbm>>
    tpu.wait_dma2 semaphore(%arg7 : memref<!tpu.dma_semaphore, #tpu.memory_space<semaphore_mem>>) src(%dma_wait3A_68 : memref<256x128xf32, #tpu.memory_space<hbm>>) dst(%arg5 : memref<256x128xf32, #tpu.memory_space<vmem>>)
    %add3A_69 = arith.constant 768 : i32
    %add3A_70 = arith.addi %mul3A_6, %add3A_69 : i32
    %dma_start3A_71 = arith.constant 0 : i32
    %dma_start3A_72 = tpu.memref_slice %arg3[%add3A_70, %dma_start3A_71] : memref<32768x128xf32, #tpu.memory_space<hbm>> -> memref<256x128xf32, #tpu.memory_space<hbm>>
    %dma_start3A_73 = arith.constant 0 : i32
    %dma_start3A_74 = tpu.memref_slice %arg3[%add3A_70, %dma_start3A_73] : memref<32768x128xf32, #tpu.memory_space<hbm>> -> memref<256x128xf32, #tpu.memory_space<hbm>>
    tpu.enqueue_dma source(%arg5 : memref<256x128xf32, #tpu.memory_space<vmem>>) target(%dma_start3A_74 : memref<256x128xf32, #tpu.memory_space<hbm>>) target_semaphore(%arg9 : memref<!tpu.dma_semaphore, #tpu.memory_space<semaphore_mem>>)
    %dma_wait3A_75 = arith.constant 0 : i32
    %dma_wait3A_76 = tpu.memref_slice %arg3[%add3A_70, %dma_wait3A_75] : memref<32768x128xf32, #tpu.memory_space<hbm>> -> memref<256x128xf32, #tpu.memory_space<hbm>>
    %dma_wait3A_77 = arith.constant 0 : i32
    %dma_wait3A_78 = tpu.memref_slice %arg3[%add3A_70, %dma_wait3A_77] : memref<32768x128xf32, #tpu.memory_space<hbm>> -> memref<256x128xf32, #tpu.memory_space<hbm>>
    tpu.wait_dma2 semaphore(%arg9 : memref<!tpu.dma_semaphore, #tpu.memory_space<semaphore_mem>>) src(%arg5 : memref<256x128xf32, #tpu.memory_space<vmem>>) dst(%dma_wait3A_78 : memref<256x128xf32, #tpu.memory_space<hbm>>)
    return
  }
}

module attributes {stable_mosaic.version = 14 : i64} {
  func.func @_tc_body(%arg0: i32, %arg1: memref<1024x256xf32, #tpu.memory_space<vmem>>, %arg2: memref<1024x128xf32, #tpu.memory_space<vmem>>, %arg3: memref<8192x128xf32, #tpu.memory_space<vmem>>, %arg4: memref<384x256xf32, #tpu.memory_space<vmem>>, %arg5: memref<1x256xf32, #tpu.memory_space<vmem>>, %arg6: memref<1024x256xf32, #tpu.memory_space<vmem>>, %arg7: memref<8192x128xf32, #tpu.memory_space<vmem>>) attributes {dimension_semantics = [#tpu.dimension_semantics<arbitrary>], iteration_bounds = array<i64: 4>, scalar_prefetch = 0 : i64, scratch_operands = 0 : i64, tpu.core_type = #tpu.core_type<tc>, window_params = [{transform_indices = @transform_0, window_bounds = array<i64: 1024, 256>}, {transform_indices = @transform_1, window_bounds = array<i64: 1024, 128>}, {transform_indices = @transform_2, window_bounds = array<i64: 8192, 128>}, {pipeline_mode = #tpu.pipeline_mode<synchronous>, transform_indices = @transform_3, window_bounds = array<i64: 384, 256>}, {pipeline_mode = #tpu.pipeline_mode<synchronous>, transform_indices = @transform_4, window_bounds = array<i64: 1, 256>}, {transform_indices = @transform_5, window_bounds = array<i64: 1024, 256>}, {transform_indices = @transform_6, window_bounds = array<i64: 8192, 128>}]} {
    %get3A = arith.constant 0 : index
    %get3A_0 = arith.constant 0 : index
    %get3A_1 = vector.load %arg3[%get3A, %get3A_0] : memref<8192x128xf32, #tpu.memory_space<vmem>>, vector<8192x128xf32>
    %swap3A = arith.constant 0 : index
    %swap3A_2 = arith.constant 0 : index
    %swap3A_3 = vector.load %arg7[%swap3A, %swap3A_2] : memref<8192x128xf32, #tpu.memory_space<vmem>>, vector<8192x128xf32>
    tpu.vector_store %arg7[%swap3A, %swap3A_2], %get3A_1 {strides = array<i32>} : memref<8192x128xf32, #tpu.memory_space<vmem>>, vector<8192x128xf32>,
    %get3A_4 = arith.constant 0 : index
    %get3A_5 = arith.constant 0 : index
    %get3A_6 = vector.load %arg1[%get3A_4, %get3A_5] : memref<1024x256xf32, #tpu.memory_space<vmem>>, vector<1024x256xf32>
    %get3A_7 = arith.constant 0 : index
    %get3A_8 = arith.constant 0 : index
    %get3A_9 = vector.load %arg4[%get3A_7, %get3A_8] : memref<384x256xf32, #tpu.memory_space<vmem>>, vector<256x256xf32>
    %dot_general3A = arith.constant dense<0.000000e+00> : vector<1024x256xf32>
    %dot_general3A_10 = tpu.matmul %get3A_6, %get3A_9, %dot_general3A {dimension_numbers = #tpu.dot_dimension_numbers<[1], [0], [0], [1], [0, 0, 1, 1], [], []>, transpose_lhs_hint = false} : vector<1024x256xf32>, vector<256x256xf32>, vector<1024x256xf32> -> vector<1024x256xf32>
    %get3A_11 = arith.constant 0 : index
    %get3A_12 = arith.constant 0 : index
    %get3A_13 = vector.load %arg2[%get3A_11, %get3A_12] : memref<1024x128xf32, #tpu.memory_space<vmem>>, vector<1024x128xf32>
    %get3A_14 = arith.constant 256 : index
    %get3A_15 = arith.constant 0 : index
    %get3A_16 = vector.load %arg4[%get3A_14, %get3A_15] : memref<384x256xf32, #tpu.memory_space<vmem>>, vector<128x256xf32>
    %dot_general3A_17 = arith.constant dense<0.000000e+00> : vector<1024x256xf32>
    %dot_general3A_18 = tpu.matmul %get3A_13, %get3A_16, %dot_general3A_17 {dimension_numbers = #tpu.dot_dimension_numbers<[1], [0], [0], [1], [0, 0, 1, 1], [], []>, transpose_lhs_hint = false} : vector<1024x128xf32>, vector<128x256xf32>, vector<1024x256xf32> -> vector<1024x256xf32>
    %add3A = arith.addf %dot_general3A_10, %dot_general3A_18 : vector<1024x256xf32>
    %get3A_19 = arith.constant 0 : index
    %get3A_20 = arith.constant 0 : index
    %get3A_21 = vector.load %arg5[%get3A_19, %get3A_20] : memref<1x256xf32, #tpu.memory_space<vmem>>, vector<1x256xf32>
    %add3A_22 = vector.broadcast %get3A_21 : vector<1x256xf32> to vector<1024x256xf32>
    %add3A_23 = arith.addf %add3A, %add3A_22 : vector<1024x256xf32>
    %swap3A_24 = arith.constant 0 : index
    %swap3A_25 = arith.constant 0 : index
    %swap3A_26 = vector.load %arg6[%swap3A_24, %swap3A_25] : memref<1024x256xf32, #tpu.memory_space<vmem>>, vector<1024x256xf32>
    tpu.vector_store %arg6[%swap3A_24, %swap3A_25], %add3A_23 {strides = array<i32>} : memref<1024x256xf32, #tpu.memory_space<vmem>>, vector<1024x256xf32>,
    return
  }
  func.func @transform_0(%arg0: i32) -> (i32, i32) {
    %c0_i32 = arith.constant 0 : i32
    %c0_i32_0 = arith.constant 0 : i32
    return %arg0, %c0_i32 : i32, i32
  }
  func.func @transform_1(%arg0: i32) -> (i32, i32) {
    %c0_i32 = arith.constant 0 : i32
    %c0_i32_0 = arith.constant 0 : i32
    return %arg0, %c0_i32 : i32, i32
  }
  func.func @transform_2(%arg0: i32) -> (i32, i32) {
    %c0_i32 = arith.constant 0 : i32
    %c0_i32_0 = arith.constant 0 : i32
    return %arg0, %c0_i32 : i32, i32
  }
  func.func @transform_3(%arg0: i32) -> (i32, i32) {
    %c0_i32 = arith.constant 0 : i32
    %c0_i32_0 = arith.constant 0 : i32
    %c0_i32_1 = arith.constant 0 : i32
    return %c0_i32, %c0_i32_0 : i32, i32
  }
  func.func @transform_4(%arg0: i32) -> (i32, i32) {
    %c0_i32 = arith.constant 0 : i32
    %c0_i32_0 = arith.constant 0 : i32
    %c0_i32_1 = arith.constant 0 : i32
    return %c0_i32, %c0_i32_0 : i32, i32
  }
  func.func @transform_5(%arg0: i32) -> (i32, i32) {
    %c0_i32 = arith.constant 0 : i32
    %c0_i32_0 = arith.constant 0 : i32
    return %arg0, %c0_i32 : i32, i32
  }
  func.func @transform_6(%arg0: i32) -> (i32, i32) {
    %c0_i32 = arith.constant 0 : i32
    %c0_i32_0 = arith.constant 0 : i32
    return %arg0, %c0_i32 : i32, i32
  }
}

</mosaic_0001>

<sc_bundles>
// kernel: kernel.4.cloned.1.call-start
scs
__scs_entry_jumppad:
0x0: {  	(pc) =	sbr.rel $0x88, $3  }
0x1: {  	(tag) =	ssettag $0x0;
	lr =	simm.s32 $0x1  }
0x2: {  	[smem:$0x3F9D] =	sst lr;
	_ =	strace $0xD0000000  }
0x3: {  	_ = 	snop  }
0x4: {  	_ = 	snop  }
0x5: {  	_ = 	snop  }
0x6: {  	_ = 	snop  }
0x7: {  	_ = 	snop  }
__scs_overlays_trampoline_lowered:
0x8: {  	[smem:$0x3FAC] =	sst s0  }
0x9: {  	[smem:$0x3FAD] =	sst s1  }
0xa: {  	[smem:$0x3FAE] =	sst s2  }
0xb: {  	[smem:$0x3FAF] =	sst s3  }
0xc: {  	[smem:$0x3FB0] =	sst s4  }
0xd: {  	[smem:$0x3FB1] =	sst s5  }
0xe: {  	[smem:$0x3FB2] =	sst s6  }
0xf: {  	[smem:$0x3FB3] =	sst s7  }
0x10: {  	[smem:$0x3FB4] =	sst s8  }
0x11: {  	[smem:$0x3FB5] =	sst s9;
	s0 =	simm.s32 @!p0 $0x0  }
0x12: {  	s1 =	sld [smem:$0x3F9B];
	s0 =	simm.s32 @p0 $0x1  }
0x13: {  	[smem:$0x3FB6] =	sst s0;
	s0 =	simm.s32 @!p1 $0x0  }
0x14: {  	s2 =	sld [smem:$0x3F9A];
	s0 =	simm.s32 @p1 $0x1  }
0x15: {  	[smem:$0x3FB7] =	sst s0;
	s0 =	simm.s32 @!p2 $0x0  }
0x16: {  	s3 =	sld [smem:$0x3FDB];
	s0 =	simm.s32 @p2 $0x1  }
0x17: {  	s4 =	simm.s32 $0x1BF5;
	[smem:$0x3FB9] =	sst s0  }
0x18: {  	s0 =	sld [smem:$0x3F9C];
	_ =	swait.ge [sflag:s4], $0x0  }
0x19: {  	s7 =	sld [smem:$0x3F9D]  }
0x1a: {  	s8 =	sadd.s32 $0xFFFFE003, lr  }
0x1b: {  	s9 =	sadd.s32 $0xFFFFFEF7, lr;
	s5 =	simm.s32 $0xFFFFFFFF;
	p2 =	slt.u32 s8, $0xFFFFF086  }
0x1c: {  	p1 =	slt.u32 s9, $0xF7A;
	s5 =	simm.s32 @!p2 $0x0  }
0x1d: {  	s5 =	simm.s32 @p1 $0x1;
	p0 =	seq.s32 s7, s2  }
0x1e: {  	s7 =	smul.u32 @!p0 $0xF7A, s2;
	p2 =	seq.s32 @!p0 s5, $0x0  }
0x1f: {  	s9 =	smul.u32 $0xF7A, s1;
	s8 =	simm.s32 @!p0 $0x1BF5;
	p2 =	por !p2, p0  }
0x20: {  	[sflag:s8] =	ssyncset.s32 @!p0 $0xFFFFF086;
	s6 =	sadd.s32 @!p0 s3, s7;
	s7 =	simm.s32 @!p0 $0x108  }
0x21: {  	s3 =	sadd.s32 s3, s9;
	s6 =	sadd.s32 @!p0 $0x88, s6;
	s7 =	simm.s32 @p2 $0x1082  }
0x22: {  	[simem:s7], [sflag:s8] =	dma.local @!p0 [hbm:s6], $0xF7A  }
0x23: {  	s9 =	sor.u32 $0xD0000000, s2;
	s6 =	simm.s32 $0x108;
	_ =	swait.ge @!p0 [sflag:s8], $0x0  }
0x24: {  	s3 =	sadd.s32 $0x88, s3;
	s6 =	simm.s32 @!p1 $0x1082;
	[sflag:s4] =	ssyncset.s32 $0xFFFFF086  }
0x25: {  	[simem:s6], [sflag:s4] =	dma.local [hbm:s3], $0xF7A  }
0x26: {  	[smem:$0x3F9D] =	sst s1;
	(tag) =	ssettag s2;
	_ =	strace s9  }
0x27: {  	s1 =	sld [smem:$0x3FAD]  }
0x28: {  	s2 =	sld [smem:$0x3FAE]  }
0x29: {  	s4 =	sld [smem:$0x3FB0]  }
0x2a: {  	p0 =	seq.s32 s5, $0x0;
	s5 =	sld [smem:$0x3FB1]  }
0x2b: {  	s6 =	sld [smem:$0x3FB2]  }
0x2c: {  	s7 =	sld [smem:$0x3FB3]  }
0x2d: {  	s3 =	simm.s32 $0x108;
	s8 =	sld [smem:$0x3FB4]  }
0x2e: {  	s3 =	simm.s32 @!p0 $0x1082;
	s9 =	sld [smem:$0x3FB5]  }
0x2f: {  	lr =	sadd.s32 s0, s3;
	s0 =	sld [smem:$0x3FAC]  }
0x30: {  	s3 =	sld [smem:$0x3FAF]  }
0x31: {  	[smem:$0x3FB8] =	sst s10  }
0x32: {  	s10 =	sld [smem:$0x3FB6];
	_ =	sdelay $0x3  }
0x33: {  	p0 =	seq.s32 s10, $0x1;
	s10 =	sld [smem:$0x3FB8];
	_ =	sdelay $0x3  }
0x34: {  	[smem:$0x3FB8] =	sst s10  }
0x35: {  	s10 =	sld [smem:$0x3FB7];
	_ =	sdelay $0x3  }
0x36: {  	p1 =	seq.s32 s10, $0x1;
	s10 =	sld [smem:$0x3FB8];
	_ =	sdelay $0x3  }
0x37: {  	[smem:$0x3FB8] =	sst s10  }
0x38: {  	s10 =	sld [smem:$0x3FB9]  }
0x39: {  	_ = 	snop;
	(pc) =	sbr.ind lr, $3  }
0x3a: {  	_ = 	snop  }
0x3b: {  	_ = 	snop  }
0x3c: {  	p2 =	seq.s32 s10, $0x1;
	s10 =	sld [smem:$0x3FB8]  }
0x3d: {  	_ =	shalt  }
0x3e: {  	_ =	shalt  }
0x3f: {  	_ =	shalt  }
0x40: {  	_ =	shalt  }
0x41: {  	_ =	shalt  }
0x42: {  	_ =	shalt  }
0x43: {  	_ =	shalt  }
0x44: {  	_ =	shalt  }
0x45: {  	_ =	shalt  }
0x46: {  	_ =	shalt  }
0x47: {  	_ =	shalt  }
0x48: {  	_ =	shalt  }
0x49: {  	_ =	shalt  }
0x4a: {  	_ =	shalt  }
0x4b: {  	_ =	shalt  }
0x4c: {  	_ =	shalt  }
0x4d: {  	_ =	shalt  }
0x4e: {  	_ =	shalt  }
0x4f: {  	_ =	shalt  }
0x50: {  	_ =	shalt  }
0x51: {  	_ =	shalt  }
0x52: {  	_ =	shalt  }
0x53: {  	_ =	shalt  }
0x54: {  	_ =	shalt  }
0x55: {  	_ =	shalt  }
0x56: {  	_ =	shalt  }
0x57: {  	_ =	shalt  }
0x58: {  	_ =	shalt  }
0x59: {  	_ =	shalt  }
0x5a: {  	_ =	shalt  }
0x5b: {  	_ =	shalt  }
0x5c: {  	_ =	shalt  }
0x5d: {  	_ =	shalt  }
0x5e: {  	_ =	shalt  }
0x5f: {  	_ =	shalt  }
0x60: {  	_ =	shalt  }
0x61: {  	_ =	shalt  }
0x62: {  	_ =	shalt  }
0x63: {  	_ =	shalt  }
0x64: {  	_ =	shalt  }
0x65: {  	_ =	shalt  }
0x66: {  	_ =	shalt  }
0x67: {  	_ =	shalt  }
0x68: {  	_ =	shalt  }
0x69: {  	_ =	shalt  }
0x6a: {  	_ =	shalt  }
0x6b: {  	_ =	shalt  }
0x6c: {  	_ =	shalt  }
0x6d: {  	_ =	shalt  }
0x6e: {  	_ =	shalt  }
0x6f: {  	_ =	shalt  }
0x70: {  	_ =	shalt  }
0x71: {  	_ =	shalt  }
0x72: {  	_ =	shalt  }
0x73: {  	_ =	shalt  }
0x74: {  	_ =	shalt  }
0x75: {  	_ =	shalt  }
0x76: {  	_ =	shalt  }
0x77: {  	_ =	shalt  }
0x78: {  	_ =	shalt  }
0x79: {  	_ =	shalt  }
0x7a: {  	_ =	shalt  }
0x7b: {  	_ =	shalt  }
0x7c: {  	_ =	shalt  }
0x7d: {  	_ =	shalt  }
0x7e: {  	_ =	shalt  }
0x7f: {  	_ =	shalt  }
0x80: {  	_ =	shalt  }
0x81: {  	_ =	shalt  }
0x82: {  	_ =	shalt  }
0x83: {  	_ =	shalt  }
0x84: {  	_ =	shalt  }
0x85: {  	_ =	shalt  }
0x86: {  	_ =	shalt  }
0x87: {  	_ =	shalt  }
.Lfunc_end0:
.L_simem_size_0:
called_computation_lowered:
.L_overlay_start_0:
0x88: {  	s2 =	sld [smem:$0x3FD9]  }
0x89: {  	s3 =	sld [smem:$0x3FFE];
	_ =	sdelay $0x1  }
0x8a: {  	s1 =	srdreg.scid  }
0x8b: {  	s0 =	sand.u32 $0x1, s1  }
0x8c: {  	s15 =	sshll.u32 s0, $0xA;
	s2 =	sadd.s32 s3, s2  }
0x8d: {  	s2 =	sadd.s32 s2, s15  }
0x8e: {  	[smem:$0x3FC4] =	sst s2  }
0x8f: {  	_ = 	snop  }
0x90: {  	s2 =	sld [smem:$0x3FD0];
	_ =	sdelay $0x2  }
0x91: {  	s4 =	simm.s32 $0xA;
	s5 =	simm.s32 $0x10;
	s16 =	sld [smem:$0x3FC8]  }
0x92: {  	[smem:s5], [sflag:s4] =	dma.local [hbm:s2], $0x1  }
0x93: {  	_ =	swait.eq [sflag:s4], $0x1  }
0x94: {  	[sflag:s4] =	ssyncset.done $0x0  }
0x95: {  	[sflag:s4] =	ssyncadd.s32 $0xFFFFFFFF  }
0x96: {  	s17 =	sld [smem:$0x12];
	(tm) =	ssettm $0x1  }
0x97: {  	s18 =	sld [smem:$0x3FFB];
	_ =	sdelay $0x3  }
0x98: {  	_ =	strace s18  }
0x99: {  	s4 =	sld [smem:$0x3FFC];
	_ =	sdelay $0x3  }
0x9a: {  	_ =	strace s4  }
0x9b: {  	s4 =	sld [smem:$0x3FFD];
	_ =	sdelay $0x3  }
0x9c: {  	_ =	strace s4  }
0x9d: {  	_ =	strace $0x8FFFFFFF  }
0x9e: {  	s19 =	sld [smem:$0x3FDB];
	_ =	sdelay $0x1  }
0x9f: {  	s20 =	simm.s32 $_scs_section_size  }
0xa0: {  	s6 =	simm.s32 $_size__tile_overlayer_lowered;
	s7 =	simm.s32 $_tile_overlayer_lowered  }
0xa1: {  	s23 =	simm.s32 $0x1BFF;
	s22 =	sshll.u32 s7, $0x1;
	s4 =	sadd.s32 s20, s19  }
0xa2: {  	s8 =	simm.s32 $0x0;
	s21 =	sshll.u32 s6, $0x1;
	s6 =	sadd.s32 s22, s4  }
0xa3: {  	[timem:s8], [sflag:s23] =	dma.local [hbm:s6], s21  }
0xa4: {  	_ =	swait.ge [sflag:s23], s21  }
0xa5: {  	s5 =	ssub.s32 $0x0, s21;
	[sflag:s23] =	ssyncset.done $0x0  }
0xa6: {  	[sflag:s23] =	ssyncadd.s32 s5;
	_ =	sdelay $0x1  }
0xa7: {  	s24 =	simm.s32 $0x1B8B  }
0xa8: {  	_ =	swait.ge [sflag:s24], $0x1  }
0xa9: {  	[sflag:s24] =	ssyncset.done $0x0  }
0xaa: {  	s25 =	simm.s32 $0x1B8E;
	[sflag:s24] =	ssyncadd.s32 $0xFFFFFFFF  }
0xab: {  	s26 =	simm.s32 $execute0_lowered;
	[smem:$0x3FD2] =	sst s25  }
0xac: {  	s5 =	sshll.u32 s26, $0x1;
	_ =	strace $0x80000046;
	[dreg:$0x1] =	wrdreg $0xFFFFFFFF  }
0xad: {  	s28 =	simm.s32 $_size_execute0_lowered;
	s4 =	sadd.s32 s4, s5;
	[dreg:$0x0] =	wrdreg $0x0  }
0xae: {  	s5 =	sshll.u32 s28, $0x1;
	[dreg:$0x2] =	wrdreg s4  }
0xaf: {  	[dreg:$0x3] =	wrdreg s5  }
0xb0: {  	[dreg:$0x4] =	wrdreg $0xC0  }
0xb1: {  	_ =	task [dreg:s8], $0x5FFFF  }
0xb2: {  	[dreg:$0x1] =	wrdreg $0xFFFFFFFF  }
0xb3: {  	[dreg:$0x0] =	wrdreg $0x60  }
0xb4: {  	[dreg:$0x2] =	wrdreg s16  }
0xb5: {  	[dreg:$0x3] =	wrdreg s17  }
0xb6: {  	[dreg:$0x4] =	wrdreg $0x9  }
0xb7: {  	_ =	task.clear_ibuf [dreg:s8], $0x5FFFF;
	_ =	strace $0x90000046  }
0xb8: {  	s29 =	simm.s32 $0x9;
	_ =	strace $0x80000048  }
0xb9: {  	_ =	swait.ge [sflag:s29], $0x1  }
0xba: {  	[sflag:s29] =	ssyncadd.s32 $0xFFFFFFFF  }
0xbb: {  	_ =	strace $0x90000048  }
0xbc: {  	_ =	sfence  }
0xbd: {  	s30 =	sld [smem:$0x0];
	_ =	sdelay $0x2  }
0xbe: {  	s31 =	sshll.u32 s1, $0xD;
	s1 =	sshrl.u32 s1, $0x2  }
0xbf: {  	s3 =	sand.u32 $0x4000, s31;
	s1 =	sadd.s32 s1, s30  }
0xc0: {  	s0 =	sor.u32 s3, s0;
	s1 =	sshll.u32 s1, $0x11  }
0xc1: {  	s0 =	sor.u32 s1, s0  }
0xc2: {  	s0 =	sadd.s32 $0x8F2B, s0  }
0xc3: {  	[sflag:s0] =	ssyncadd.remote.s32 $0x1  }
0xc4: {  	_ =	sfence.sel $0xFFFF  }
0xc5: {  	[dreg:$0x0] =	wrdreg $0xFFFFFFFF;
	(pc) =	sbr.abs _section_cstart, $3  }
0xc6: {  	[dreg:$0x1] =	wrdreg $0xFFFFFFFF  }
0xc7: {  	_ =	task.clear_ibuf [dreg:s8], $0x2FFFF;
	_ =	strace $0x9FFFFFFF  }
0xc8: {  	(tm) =	ssettm $0x7FFFFFFF  }
0xc9: {  	_ =	shalt  }
tec
execute0_lowered:
.L_overlay_start_1:
0x0: {  	(tag) =	ssettag $0x1  }
0x1: {  	s1 =	srdreg.scid  }
0x2: {  	s0 =	stileid.u32;
	s14 =	sand.u32 $0x1, s1  }
0x3: {  	s3 =	rddreg [dreg:$0x0];
	s4 =	sshll.u32 s0, $0xF;
	s5 =	sshll.u32 s14, $0xE  }
0x4: {  	s7 =	rddreg [dreg:$0x1];
	s2 =	simm.s32 $0x0;
	s8 =	sor.u32 s5, s4  }
0x5: {  	[smem:$0x7FF] =	sst s2;
	s13 =	sadd.s32 s8, s3  }
0x6: {  	s1 =	rddreg [dreg:$0x2];
	_ =	strace $0x80000047;
	s3 =	sadd.s32 $0x80000, s13  }
0x7: {  	[tilespmem:s2], [sflag:$0x1] =	stream.linear.gather [hbm4b:s3+s2], $0x8000, $0x38;
	[tilespmem:$0x10000] =	vst v63  }
0x8: {  	s6 =	simm.s32 $0x1;
	s5 =	simm.s32 $0x8000;
	s4 =	sadd.s32 $0x81000, s13  }
0x9: {  	[tilespmem:s5], [sflag:$0x2] =	stream.linear.gather [hbm4b:s4+s2], $0x8000, $0x38;
	[tilespmem:$0x10000] =	vst v63  }
0xa: {  	_ =	swait.ge [sflag:s6], $0x8000  }
0xb: {  	[sflag:s6] =	ssyncset.done $0x0  }
0xc: {  	s7 =	sadd.s32 s7, s8;
	s8 =	simm.s32 $0x3;
	[sflag:s6] =	ssyncadd.s32 $0xFFFF8000  }
0xd: {  	[hbm4b:s7+s2] =	stream.linear.scatter [tilespmem:s2], [sflag:$0x3], $0x8000, $0x38;
	[tilespmem:$0x10000] =	vst v63  }
0xe: {  	_ =	swait.ge [sflag:s8], $0x8000  }
0xf: {  	[sflag:s8] =	ssyncset.done $0x0  }
0x10: {  	s10 =	simm.s32 $0x2;
	s9 =	sadd.s32 $0x82000, s13;
	[sflag:s8] =	ssyncadd.s32 $0xFFFF8000  }
0x11: {  	[tilespmem:s2], [sflag:$0x1] =	stream.linear.gather [hbm4b:s9+s2], $0x8000, $0x38;
	[tilespmem:$0x10000] =	vst v63  }
0x12: {  	_ =	swait.ge [sflag:s10], $0x8000  }
0x13: {  	[sflag:s10] =	ssyncset.done $0x0  }
0x14: {  	s11 =	simm.s32 $0x4;
	s12 =	sadd.s32 $0x1000, s7;
	[sflag:s10] =	ssyncadd.s32 $0xFFFF8000  }
0x15: {  	[hbm4b:s12+s2] =	stream.linear.scatter [tilespmem:s5], [sflag:$0x4], $0x8000, $0x38;
	[tilespmem:$0x10000] =	vst v63  }
0x16: {  	_ =	swait.ge [sflag:s11], $0x8000  }
0x17: {  	[sflag:s11] =	ssyncset.done $0x0  }
0x18: {  	s15 =	ssub.s32 $0x2, s14;
	s13 =	sadd.s32 $0x83000, s13;
	[sflag:s11] =	ssyncadd.s32 $0xFFFF8000  }
0x19: {  	[tilespmem:s5], [sflag:$0x2] =	stream.linear.gather [hbm4b:s13+s2], $0x8000, $0x38;
	[tilespmem:$0x10000] =	vst v63  }
0x1a: {  	s16 =	sshrl.u32 s15, $0x1;
	_ =	swait.ge [sflag:s6], $0x8000  }
0x1b: {  	s16 =	ssub.s32 s15, s16;
	[sflag:s6] =	ssyncset.done $0x0  }
0x1c: {  	s14 =	sadd.s32 $0x2000, s7;
	s16 =	smax.u32 s16, $0x1;
	[sflag:s6] =	ssyncadd.s32 $0xFFFF8000  }
0x1d: {  	[hbm4b:s14+s2] =	stream.linear.scatter [tilespmem:s2], [sflag:$0x3], $0x8000, $0x38;
	[tilespmem:$0x10000] =	vst v63  }
0x1e: {  	p0 =	sne.s32 s16, $0x1;
	_ =	swait.ge [sflag:s10], $0x8000  }
.Ltmp0:
0x1f: {  	[sflag:s10] =	ssyncset.done $0x0;
	(pc) =	sbr.rel @!p0 .LBB2_2-.Ltmp0, $4  }
0x20: {  	s15 =	sadd.s32 $0x3000, s7;
	[sflag:s10] =	ssyncadd.s32 $0xFFFF8000  }
0x21: {  	[hbm4b:s15+s2] =	stream.linear.scatter [tilespmem:s5], [sflag:$0x4], $0x8000, $0x38;
	[tilespmem:$0x10000] =	vst v63  }
0x22: {  	_ =	swait.ge [sflag:s11], $0x8000  }
0x23: {  	s16 =	sadd.s32 $0xFFFFFFFF, s16;
	[sflag:s11] =	ssyncset.done $0x0  }
.LBB2_1:
0x24: {  	p0 =	sne.s32 s16, $0x1;
	s16 =	sadd.s32 $0xFFFFFFFF, s16;
	[sflag:s11] =	ssyncadd.s32 $0xFFFF8000  }
0x25: {  	[tilespmem:s2], [sflag:$0x1] =	stream.linear.gather [hbm4b:s3+s2], $0x8000, $0x38;
	[tilespmem:$0x10000] =	vst v63  }
0x26: {  	_ = 	snop  }
0x27: {  	[tilespmem:s5], [sflag:$0x2] =	stream.linear.gather [hbm4b:s4+s2], $0x8000, $0x38;
	[tilespmem:$0x10000] =	vst v63  }
0x28: {  	_ =	swait.ge [sflag:s6], $0x8000  }
0x29: {  	[sflag:s6] =	ssyncset.done $0x0  }
0x2a: {  	[sflag:s6] =	ssyncadd.s32 $0xFFFF8000  }
0x2b: {  	[hbm4b:s7+s2] =	stream.linear.scatter [tilespmem:s2], [sflag:$0x3], $0x8000, $0x38;
	[tilespmem:$0x10000] =	vst v63  }
0x2c: {  	_ =	swait.ge [sflag:s8], $0x8000  }
0x2d: {  	[sflag:s8] =	ssyncset.done $0x0  }
0x2e: {  	[sflag:s8] =	ssyncadd.s32 $0xFFFF8000  }
0x2f: {  	[tilespmem:s2], [sflag:$0x1] =	stream.linear.gather [hbm4b:s9+s2], $0x8000, $0x38;
	[tilespmem:$0x10000] =	vst v63  }
0x30: {  	_ =	swait.ge [sflag:s10], $0x8000  }
0x31: {  	[sflag:s10] =	ssyncset.done $0x0  }
0x32: {  	[sflag:s10] =	ssyncadd.s32 $0xFFFF8000  }
0x33: {  	[hbm4b:s12+s2] =	stream.linear.scatter [tilespmem:s5], [sflag:$0x4], $0x8000, $0x38;
	[tilespmem:$0x10000] =	vst v63  }
0x34: {  	_ =	swait.ge [sflag:s11], $0x8000  }
0x35: {  	[sflag:s11] =	ssyncset.done $0x0  }
0x36: {  	[sflag:s11] =	ssyncadd.s32 $0xFFFF8000  }
0x37: {  	[tilespmem:s5], [sflag:$0x2] =	stream.linear.gather [hbm4b:s13+s2], $0x8000, $0x38;
	[tilespmem:$0x10000] =	vst v63  }
0x38: {  	_ =	swait.ge [sflag:s6], $0x8000  }
0x39: {  	[sflag:s6] =	ssyncset.done $0x0  }
0x3a: {  	[sflag:s6] =	ssyncadd.s32 $0xFFFF8000  }
0x3b: {  	[hbm4b:s14+s2] =	stream.linear.scatter [tilespmem:s2], [sflag:$0x3], $0x8000, $0x38;
	[tilespmem:$0x10000] =	vst v63  }
0x3c: {  	_ =	swait.ge [sflag:s10], $0x8000  }
.Ltmp1:
0x3d: {  	[sflag:s10] =	ssyncset.done $0x0;
	(pc) =	sbr.rel @p0 .LBB2_1-.Ltmp1, $4  }
0x3e: {  	[sflag:s10] =	ssyncadd.s32 $0xFFFF8000  }
0x3f: {  	[hbm4b:s15+s2] =	stream.linear.scatter [tilespmem:s5], [sflag:$0x4], $0x8000, $0x38;
	[tilespmem:$0x10000] =	vst v63  }
0x40: {  	_ =	swait.ge [sflag:s11], $0x8000  }
0x41: {  	[sflag:s11] =	ssyncset.done $0x0  }
.LBB2_2:
0x42: {  	[sflag:s11] =	ssyncadd.s32 $0xFFFF8000  }
0x43: {  	_ =	sfence.sel $0x180000  }
0x44: {  	[bflag:$0x0] =	sbarrier.arrive $0xFFFF  }
0x45: {  	p0 =	sne.s32 s0, $0x0;
	_ =	strace $0x90000047  }
0x46: {  	s0 =	sadd.s32 @!p0 $0x100000, s1;
	[bflag:$0x2] =	sbarrier.arrive $0xFFFF  }
0x47: {  	[sflag:s0] =	ssyncadd.tile.s32 @!p0 $0x1;
	_ =	shalt  }
.Lfunc_end2:
_tile_overlayer_lowered:
.L_overlay_start_2:
0x48: {  	(tag) =	ssettag $0x2  }
0x49: {  	s0 =	rddreg [dreg:$0x0];
	s2 =	stileid.u32  }
0x4a: {  	s1 =	rddreg [dreg:$0x1];
	p0 =	sne.s32 s2, $0x0  }
0x4b: {  	s3 =	rddreg [dreg:$0x2];
	[bflag:$0x3] =	sbarrier.arrive $0xFFFF;
	s2 =	simm.s32 @!p0 $0x1C05  }
0x4c: {  	[timem:s3], [sflag:s2] =	dma.local @!p0 [hbm:s0], s1  }
0x4d: {  	s0 =	simm.s32 @!p0 $0x5  }
0x4e: {  	_ =	swait.ge @!p0 [sflag:s0], s1  }
0x4f: {  	s1 =	ssub.s32 @!p0 $0x0, s1;
	[sflag:s0] =	ssyncset.done @!p0 $0x0  }
0x50: {  	[sflag:s0] =	ssyncadd.s32 @!p0 s1  }
0x51: {  	[bflag:$0x3] =	sbarrier.arrive $0xFFFF  }
0x52: {  	_ =	shalt  }

</sc_bundles>
